<compile_context>
chip_gen: v7x
topology: tpu7x:2x2x1
jax: 0.10.2.dev20260603
libtpu: 0.0.44.dev20260713+nightly
codegen_flags: <defaults>
</compile_context>

<pallas_src>
import jax
import jax.numpy as jnp
from jax.experimental import pallas as pl

_B, _CIN, _H, _W = 8, 384, 128, 128
_CP, _CO = 256, 80
_K, _STRIDE = 100, 4
_TR = 8
_NT = _H // _TR
_HP, _WP = 144, 136


def _conv_body(cur_ref, nxt_ref, w1_ref, w2_ref, b1_ref, b2_ref, o_ref):
    r16 = jnp.concatenate([cur_ref[0], nxt_ref[0]], axis=0)
    acc = jnp.zeros((_TR * _W, _CP), dtype=jnp.float32)
    for dy in range(3):
        a = r16[dy:dy + _TR]
        ady = jnp.concatenate([a[:, dx:dx + _W, :] for dx in range(3)], axis=2)
        acc = acc + jnp.dot(ady.reshape(_TR * _W, 3 * _CIN), w1_ref[dy],
                            preferred_element_type=jnp.float32)
    feat = jax.nn.relu(acc + b1_ref[0][None, :])
    h = jnp.dot(feat.astype(jnp.bfloat16), w2_ref[...],
                preferred_element_type=jnp.float32) + b2_ref[0][None, :]
    o_ref[0] = jax.nn.sigmoid(h)


def _conv_head(xp, w1c, w2m, b1, b2):
    return pl.pallas_call(
        _conv_body,
        grid=(_B, _NT),
        in_specs=[
            pl.BlockSpec((1, _TR, _WP, _CIN), lambda b, i: (b, i, 0, 0)),
            pl.BlockSpec((1, _TR, _WP, _CIN), lambda b, i: (b, i + 1, 0, 0)),
            pl.BlockSpec((3, 3 * _CIN, _CP), lambda b, i: (0, 0, 0)),
            pl.BlockSpec((_CP, _CO), lambda b, i: (0, 0)),
            pl.BlockSpec((1, _CP), lambda b, i: (0, 0)),
            pl.BlockSpec((1, _CO), lambda b, i: (0, 0)),
        ],
        out_specs=pl.BlockSpec((1, _TR * _W, _CO), lambda b, i: (b, i, 0)),
        out_shape=jax.ShapeDtypeStruct((_B, _H * _W, _CO), jnp.float32),
    )(xp, xp, w1c, w2m, b1, b2)


def _nms_body(x_ref, o_ref):
    x = x_ref[0, 0]
    ninf_row = jnp.full((1, _W), -jnp.inf, dtype=x.dtype)
    up = jnp.concatenate([x[1:, :], ninf_row], axis=0)
    dn = jnp.concatenate([ninf_row, x[:-1, :]], axis=0)
    r = jnp.maximum(jnp.maximum(up, dn), x)
    ninf_col = jnp.full((_H, 1), -jnp.inf, dtype=x.dtype)
    lf = jnp.concatenate([r[:, 1:], ninf_col], axis=1)
    rt = jnp.concatenate([ninf_col, r[:, :-1]], axis=1)
    m = jnp.maximum(jnp.maximum(lf, rt), r)
    o_ref[0, 0] = jnp.where(m == x, x, 0.0)


def _nms(heat):
    return pl.pallas_call(
        _nms_body,
        grid=(_B, _CO),
        in_specs=[pl.BlockSpec((1, 1, _H, _W), lambda b, c: (b, c, 0, 0))],
        out_specs=pl.BlockSpec((1, 1, _H, _W), lambda b, c: (b, c, 0, 0)),
        out_shape=jax.ShapeDtypeStruct((_B, _CO, _H, _W), jnp.float32),
    )(heat)


def kernel(input, W1, b1, W2, b2):
    xt = jnp.transpose(input, (0, 2, 3, 1)).astype(jnp.bfloat16)
    xp = jnp.pad(xt, ((0, 0), (1, _HP - _H - 1), (1, _WP - _W - 1), (0, 0)))
    w1c = jnp.stack([
        jnp.concatenate([W1[:, :, dy, dx].T for dx in range(3)], axis=0)
        for dy in range(3)]).astype(jnp.bfloat16)
    w2m = W2[:, :, 0, 0].T.astype(jnp.bfloat16)
    heat = _conv_head(xp, w1c, w2m, b1[None, :], b2[None, :])
    heat = jnp.transpose(heat.reshape(_B, _H, _W, _CO), (0, 3, 1, 2))
    heat = _nms(heat)
    flat = heat.reshape(_B, -1)
    scores, idx = jax.lax.top_k(flat, _K)
    clses = idx // (_H * _W)
    rem = idx % (_H * _W)
    ys = (rem // _W) * _STRIDE
    xs = (rem % _W) * _STRIDE
    return scores, clses, ys, xs

# --- scband reference (transcript-rebuilt; emitter-appended) ---
"""Pipeline reference for scband-heatmap-head-17051020165595 (READ-ONLY COPY).

The authoritative reference and input builder live on the scoring server;
editing this copy changes nothing except your own understanding.
"""

import jax, jax.numpy as jnp
import numpy as np

B, C_IN, H, W_ = 8, 384, 128, 128
C_PROJ, C_OUT = 256, 80
TOPK, STRIDE = 100, 4


def setup_inputs(seed: int = 0) -> dict:
    key = jax.random.key(seed)
    ks = jax.random.split(key, 4)
    inp = {}
    inp["input"] = jax.random.normal(ks[0], (B, C_IN, H, W_), dtype=jnp.float32)
    # learned params sized per init_kwargs
    inp["W1"] = jax.random.normal(ks[1], (C_PROJ, C_IN, 3, 3), dtype=jnp.float32) * 0.02
    inp["b1"] = jnp.zeros((C_PROJ,), dtype=jnp.float32)
    inp["W2"] = jax.random.normal(ks[2], (C_OUT, C_PROJ, 1, 1), dtype=jnp.float32) * 0.02
    inp["b2"] = jnp.full((C_OUT,), -2.19, dtype=jnp.float32)  # centernet-style bias init
    return inp


def _conv(x, w, b, pad):
    y = jax.lax.conv_general_dilated(
        x, w, window_strides=(1, 1), padding=[(pad, pad), (pad, pad)],
        dimension_numbers=("NCHW", "OIHW", "NCHW"))
    return y + b[None, :, None, None]


def _maxpool3(x):
    return jax.lax.reduce_window(x, -jnp.inf, jax.lax.max,
                                 (1, 1, 3, 3), (1, 1, 1, 1), "SAME")


def reference(input, W1, b1, W2, b2):
    # head: conv3x3 -> ReLU -> conv1x1 heatmap projection
    feat = jax.nn.relu(_conv(input, W1, b1, 1))
    heat = jax.nn.sigmoid(_conv(feat, W2, b2, 0))
    # decoder: 3x3 max-pool NMS keeps local maxima, then per-image topk
    hmax = _maxpool3(heat)
    keep = (hmax == heat).astype(heat.dtype)
    heat = heat * keep
    flat = heat.reshape(B, -1)
    scores, idx = jax.lax.top_k(flat, TOPK)
    clses = idx // (H * W_)
    rem = idx % (H * W_)
    ys = (rem // W_) * STRIDE
    xs = (rem % W_) * STRIDE
    return scores, clses, ys, xs

if __name__ == "__main__":
    import jax
    _d = setup_inputs()
    print(jax.jit(kernel)(*tuple(_d.values())))

</pallas_src>

<mosaic_0001>
module attributes {stable_mosaic.version = 14 : i64} {
  func.func @_conv_body(%arg0: i32, %arg1: i32, %arg2: memref<1x8x136x384xbf16, #tpu.memory_space<vmem>>, %arg3: memref<1x8x136x384xbf16, #tpu.memory_space<vmem>>, %arg4: memref<3x1152x256xbf16, #tpu.memory_space<vmem>>, %arg5: memref<256x80xbf16, #tpu.memory_space<vmem>>, %arg6: memref<1x256xf32, #tpu.memory_space<vmem>>, %arg7: memref<1x80xf32, #tpu.memory_space<vmem>>, %arg8: memref<1x1024x80xf32, #tpu.memory_space<vmem>>) attributes {dimension_semantics = [#tpu.dimension_semantics<arbitrary>, #tpu.dimension_semantics<arbitrary>], iteration_bounds = array<i64: 8, 16>, scalar_prefetch = 0 : i64, scratch_operands = 0 : i64, tpu.core_type = #tpu.core_type<tc>, window_params = [{transform_indices = @transform_0, window_bounds = array<i64: 1, 8, 136, 384>}, {transform_indices = @transform_1, window_bounds = array<i64: 1, 8, 136, 384>}, {pipeline_mode = #tpu.pipeline_mode<synchronous>, transform_indices = @transform_2, window_bounds = array<i64: 3, 1152, 256>}, {pipeline_mode = #tpu.pipeline_mode<synchronous>, transform_indices = @transform_3, window_bounds = array<i64: 256, 80>}, {pipeline_mode = #tpu.pipeline_mode<synchronous>, transform_indices = @transform_4, window_bounds = array<i64: 1, 256>}, {pipeline_mode = #tpu.pipeline_mode<synchronous>, transform_indices = @transform_5, window_bounds = array<i64: 1, 80>}, {transform_indices = @transform_6, window_bounds = array<i64: 1, 1024, 80>}]} {
    %get3A = arith.constant 0 : index
    %get3A_0 = arith.constant 0 : index
    %get3A_1 = arith.constant 0 : index
    %get3A_2 = arith.constant 0 : index
    %get3A_3 = vector.load %arg2[%get3A, %get3A_0, %get3A_1, %get3A_2] : memref<1x8x136x384xbf16, #tpu.memory_space<vmem>>, vector<1x8x136x384xbf16>
    %get3A_4 = vector.shape_cast %get3A_3 : vector<1x8x136x384xbf16> to vector<8x136x384xbf16>
    %get3A_5 = arith.constant 0 : index
    %get3A_6 = arith.constant 0 : index
    %get3A_7 = arith.constant 0 : index
    %get3A_8 = arith.constant 0 : index
    %get3A_9 = vector.load %arg3[%get3A_5, %get3A_6, %get3A_7, %get3A_8] : memref<1x8x136x384xbf16, #tpu.memory_space<vmem>>, vector<1x8x136x384xbf16>
    %get3A_10 = vector.shape_cast %get3A_9 : vector<1x8x136x384xbf16> to vector<8x136x384xbf16>
    %concatenate3A = tpu.concatenate %get3A_4, %get3A_10 in 0 : vector<8x136x384xbf16>, vector<8x136x384xbf16> -> vector<16x136x384xbf16>
    %broadcast_in_dim3A = arith.constant 0.000000e+00 : f32
    %broadcast_in_dim3A_11 = vector.broadcast %broadcast_in_dim3A : f32 to vector<1024x256xf32>
    %slice3A = vector.extract_strided_slice %concatenate3A {offsets = [0, 0, 0], sizes = [8, 136, 384], strides = [1, 1, 1]} : vector<16x136x384xbf16> to vector<8x136x384xbf16>
    %slice3A_12 = vector.extract_strided_slice %slice3A {offsets = [0, 0, 0], sizes = [8, 128, 384], strides = [1, 1, 1]} : vector<8x136x384xbf16> to vector<8x128x384xbf16>
    %slice3A_13 = vector.extract_strided_slice %slice3A {offsets = [0, 1, 0], sizes = [8, 128, 384], strides = [1, 1, 1]} : vector<8x136x384xbf16> to vector<8x128x384xbf16>
    %slice3A_14 = vector.extract_strided_slice %slice3A {offsets = [0, 2, 0], sizes = [8, 128, 384], strides = [1, 1, 1]} : vector<8x136x384xbf16> to vector<8x128x384xbf16>
    %concatenate3A_15 = tpu.concatenate %slice3A_12, %slice3A_13, %slice3A_14 in 2 : vector<8x128x384xbf16>, vector<8x128x384xbf16>, vector<8x128x384xbf16> -> vector<8x128x1152xbf16>
    %reshape3A = vector.shape_cast %concatenate3A_15 : vector<8x128x1152xbf16> to vector<1024x1152xbf16>
    %get3A_16 = arith.constant 0 : index
    %get3A_17 = arith.constant 0 : index
    %get3A_18 = arith.constant 0 : index
    %get3A_19 = vector.load %arg4[%get3A_16, %get3A_17, %get3A_18] : memref<3x1152x256xbf16, #tpu.memory_space<vmem>>, vector<1x1152x256xbf16>
    %get3A_20 = vector.shape_cast %get3A_19 : vector<1x1152x256xbf16> to vector<1152x256xbf16>
    %dot_general3A = arith.constant dense<0.000000e+00> : vector<1024x256xf32>
    %dot_general3A_21 = tpu.matmul %reshape3A, %get3A_20, %dot_general3A {dimension_numbers = #tpu.dot_dimension_numbers<[1], [0], [0], [1], [0, 0, 1, 1], [], []>, transpose_lhs_hint = false} : vector<1024x1152xbf16>, vector<1152x256xbf16>, vector<1024x256xf32> -> vector<1024x256xf32>
    %add3A = arith.addf %broadcast_in_dim3A_11, %dot_general3A_21 : vector<1024x256xf32>
    %slice3A_22 = vector.extract_strided_slice %concatenate3A {offsets = [1, 0, 0], sizes = [8, 136, 384], strides = [1, 1, 1]} : vector<16x136x384xbf16> to vector<8x136x384xbf16>
    %slice3A_23 = vector.extract_strided_slice %slice3A_22 {offsets = [0, 0, 0], sizes = [8, 128, 384], strides = [1, 1, 1]} : vector<8x136x384xbf16> to vector<8x128x384xbf16>
    %slice3A_24 = vector.extract_strided_slice %slice3A_22 {offsets = [0, 1, 0], sizes = [8, 128, 384], strides = [1, 1, 1]} : vector<8x136x384xbf16> to vector<8x128x384xbf16>
    %slice3A_25 = vector.extract_strided_slice %slice3A_22 {offsets = [0, 2, 0], sizes = [8, 128, 384], strides = [1, 1, 1]} : vector<8x136x384xbf16> to vector<8x128x384xbf16>
    %concatenate3A_26 = tpu.concatenate %slice3A_23, %slice3A_24, %slice3A_25 in 2 : vector<8x128x384xbf16>, vector<8x128x384xbf16>, vector<8x128x384xbf16> -> vector<8x128x1152xbf16>
    %reshape3A_27 = vector.shape_cast %concatenate3A_26 : vector<8x128x1152xbf16> to vector<1024x1152xbf16>
    %get3A_28 = arith.constant 1 : index
    %get3A_29 = arith.constant 0 : index
    %get3A_30 = arith.constant 0 : index
    %get3A_31 = vector.load %arg4[%get3A_28, %get3A_29, %get3A_30] : memref<3x1152x256xbf16, #tpu.memory_space<vmem>>, vector<1x1152x256xbf16>
    %get3A_32 = vector.shape_cast %get3A_31 : vector<1x1152x256xbf16> to vector<1152x256xbf16>
    %dot_general3A_33 = arith.constant dense<0.000000e+00> : vector<1024x256xf32>
    %dot_general3A_34 = tpu.matmul %reshape3A_27, %get3A_32, %dot_general3A_33 {dimension_numbers = #tpu.dot_dimension_numbers<[1], [0], [0], [1], [0, 0, 1, 1], [], []>, transpose_lhs_hint = false} : vector<1024x1152xbf16>, vector<1152x256xbf16>, vector<1024x256xf32> -> vector<1024x256xf32>
    %add3A_35 = arith.addf %add3A, %dot_general3A_34 : vector<1024x256xf32>
    %slice3A_36 = vector.extract_strided_slice %concatenate3A {offsets = [2, 0, 0], sizes = [8, 136, 384], strides = [1, 1, 1]} : vector<16x136x384xbf16> to vector<8x136x384xbf16>
    %slice3A_37 = vector.extract_strided_slice %slice3A_36 {offsets = [0, 0, 0], sizes = [8, 128, 384], strides = [1, 1, 1]} : vector<8x136x384xbf16> to vector<8x128x384xbf16>
    %slice3A_38 = vector.extract_strided_slice %slice3A_36 {offsets = [0, 1, 0], sizes = [8, 128, 384], strides = [1, 1, 1]} : vector<8x136x384xbf16> to vector<8x128x384xbf16>
    %slice3A_39 = vector.extract_strided_slice %slice3A_36 {offsets = [0, 2, 0], sizes = [8, 128, 384], strides = [1, 1, 1]} : vector<8x136x384xbf16> to vector<8x128x384xbf16>
    %concatenate3A_40 = tpu.concatenate %slice3A_37, %slice3A_38, %slice3A_39 in 2 : vector<8x128x384xbf16>, vector<8x128x384xbf16>, vector<8x128x384xbf16> -> vector<8x128x1152xbf16>
    %reshape3A_41 = vector.shape_cast %concatenate3A_40 : vector<8x128x1152xbf16> to vector<1024x1152xbf16>
    %get3A_42 = arith.constant 2 : index
    %get3A_43 = arith.constant 0 : index
    %get3A_44 = arith.constant 0 : index
    %get3A_45 = vector.load %arg4[%get3A_42, %get3A_43, %get3A_44] : memref<3x1152x256xbf16, #tpu.memory_space<vmem>>, vector<1x1152x256xbf16>
    %get3A_46 = vector.shape_cast %get3A_45 : vector<1x1152x256xbf16> to vector<1152x256xbf16>
    %dot_general3A_47 = arith.constant dense<0.000000e+00> : vector<1024x256xf32>
    %dot_general3A_48 = tpu.matmul %reshape3A_41, %get3A_46, %dot_general3A_47 {dimension_numbers = #tpu.dot_dimension_numbers<[1], [0], [0], [1], [0, 0, 1, 1], [], []>, transpose_lhs_hint = false} : vector<1024x1152xbf16>, vector<1152x256xbf16>, vector<1024x256xf32> -> vector<1024x256xf32>
    %add3A_49 = arith.addf %add3A_35, %dot_general3A_48 : vector<1024x256xf32>
    %get3A_50 = arith.constant 0 : index
    %get3A_51 = arith.constant 0 : index
    %get3A_52 = vector.load %arg6[%get3A_50, %get3A_51] : memref<1x256xf32, #tpu.memory_space<vmem>>, vector<1x256xf32>
    %get3A_53 = vector.shape_cast %get3A_52 : vector<1x256xf32> to vector<256xf32>
    %broadcast_in_dim3A_54 = vector.shape_cast %get3A_53 : vector<256xf32> to vector<1x256xf32>
    %add3A_55 = vector.broadcast %broadcast_in_dim3A_54 : vector<1x256xf32> to vector<1024x256xf32>
    %add3A_56 = arith.addf %add3A_49, %add3A_55 : vector<1024x256xf32>
    %max3A = arith.constant 0.000000e+00 : f32
    %max3A_57 = vector.broadcast %max3A : f32 to vector<1024x256xf32>
    %max3A_58 = arith.maximumf %add3A_56, %max3A_57 : vector<1024x256xf32>
    %convert_element_type3A = arith.truncf %max3A_58 : vector<1024x256xf32> to vector<1024x256xbf16>
    %get3A_59 = arith.constant 0 : index
    %get3A_60 = arith.constant 0 : index
    %get3A_61 = vector.load %arg5[%get3A_59, %get3A_60] : memref<256x80xbf16, #tpu.memory_space<vmem>>, vector<256x80xbf16>
    %dot_general3A_62 = arith.constant dense<0.000000e+00> : vector<1024x80xf32>
    %dot_general3A_63 = tpu.matmul %convert_element_type3A, %get3A_61, %dot_general3A_62 {dimension_numbers = #tpu.dot_dimension_numbers<[1], [0], [0], [1], [0, 0, 1, 1], [], []>, transpose_lhs_hint = false} : vector<1024x256xbf16>, vector<256x80xbf16>, vector<1024x80xf32> -> vector<1024x80xf32>
    %get3A_64 = arith.constant 0 : index
    %get3A_65 = arith.constant 0 : index
    %get3A_66 = vector.load %arg7[%get3A_64, %get3A_65] : memref<1x80xf32, #tpu.memory_space<vmem>>, vector<1x80xf32>
    %get3A_67 = vector.shape_cast %get3A_66 : vector<1x80xf32> to vector<80xf32>
    %broadcast_in_dim3A_68 = vector.shape_cast %get3A_67 : vector<80xf32> to vector<1x80xf32>
    %add3A_69 = vector.broadcast %broadcast_in_dim3A_68 : vector<1x80xf32> to vector<1024x80xf32>
    %add3A_70 = arith.addf %dot_general3A_63, %add3A_69 : vector<1024x80xf32>
    %logistic3A = arith.negf %add3A_70 : vector<1024x80xf32>
    %logistic3A_71 = math.exp %logistic3A : vector<1024x80xf32>
    %logistic3A_72 = arith.constant 1.000000e+00 : f32
    %logistic3A_73 = vector.broadcast %logistic3A_72 : f32 to vector<1024x80xf32>
    %logistic3A_74 = arith.addf %logistic3A_73, %logistic3A_71 : vector<1024x80xf32>
    %logistic3A_75 = arith.divf %logistic3A_73, %logistic3A_74 : vector<1024x80xf32>
    %swap3A = arith.constant 0 : index
    %swap3A_76 = arith.constant 0 : index
    %swap3A_77 = arith.constant 0 : index
    %swap3A_78 = vector.load %arg8[%swap3A, %swap3A_76, %swap3A_77] : memref<1x1024x80xf32, #tpu.memory_space<vmem>>, vector<1x1024x80xf32>
    %swap3A_79 = vector.shape_cast %swap3A_78 : vector<1x1024x80xf32> to vector<1024x80xf32>
    %swap3A_80 = vector.shape_cast %logistic3A_75 : vector<1024x80xf32> to vector<1x1024x80xf32>
    tpu.vector_store %arg8[%swap3A, %swap3A_76, %swap3A_77], %swap3A_80 {strides = array<i32>} : memref<1x1024x80xf32, #tpu.memory_space<vmem>>, vector<1x1024x80xf32>,
    return
  }
  func.func @transform_0(%arg0: i32, %arg1: i32) -> (i32, i32, i32, i32) {
    %c0_i32 = arith.constant 0 : i32
    %c0_i32_0 = arith.constant 0 : i32
    %c0_i32_1 = arith.constant 0 : i32
    return %arg0, %arg1, %c0_i32, %c0_i32_0 : i32, i32, i32, i32
  }
  func.func @transform_1(%arg0: i32, %arg1: i32) -> (i32, i32, i32, i32) {
    %add3A = arith.constant 1 : i32
    %add3A_0 = arith.addi %arg1, %add3A : i32
    %c0_i32 = arith.constant 0 : i32
    %c0_i32_1 = arith.constant 0 : i32
    %c0_i32_2 = arith.constant 0 : i32
    return %arg0, %add3A_0, %c0_i32, %c0_i32_1 : i32, i32, i32, i32
  }
  func.func @transform_2(%arg0: i32, %arg1: i32) -> (i32, i32, i32) {
    %c0_i32 = arith.constant 0 : i32
    %c0_i32_0 = arith.constant 0 : i32
    %c0_i32_1 = arith.constant 0 : i32
    %c0_i32_2 = arith.constant 0 : i32
    return %c0_i32, %c0_i32_0, %c0_i32_1 : i32, i32, i32
  }
  func.func @transform_3(%arg0: i32, %arg1: i32) -> (i32, i32) {
    %c0_i32 = arith.constant 0 : i32
    %c0_i32_0 = arith.constant 0 : i32
    %c0_i32_1 = arith.constant 0 : i32
    return %c0_i32, %c0_i32_0 : i32, i32
  }
  func.func @transform_4(%arg0: i32, %arg1: i32) -> (i32, i32) {
    %c0_i32 = arith.constant 0 : i32
    %c0_i32_0 = arith.constant 0 : i32
    %c0_i32_1 = arith.constant 0 : i32
    return %c0_i32, %c0_i32_0 : i32, i32
  }
  func.func @transform_5(%arg0: i32, %arg1: i32) -> (i32, i32) {
    %c0_i32 = arith.constant 0 : i32
    %c0_i32_0 = arith.constant 0 : i32
    %c0_i32_1 = arith.constant 0 : i32
    return %c0_i32, %c0_i32_0 : i32, i32
  }
  func.func @transform_6(%arg0: i32, %arg1: i32) -> (i32, i32, i32) {
    %c0_i32 = arith.constant 0 : i32
    %c0_i32_0 = arith.constant 0 : i32
    return %arg0, %arg1, %c0_i32 : i32, i32, i32
  }
}

module attributes {stable_mosaic.version = 14 : i64} {
  func.func @_nms_body(%arg0: i32, %arg1: i32, %arg2: memref<1x1x128x128xf32, #tpu.memory_space<vmem>>, %arg3: memref<1x1x128x128xf32, #tpu.memory_space<vmem>>) attributes {dimension_semantics = [#tpu.dimension_semantics<arbitrary>, #tpu.dimension_semantics<arbitrary>], iteration_bounds = array<i64: 8, 80>, scalar_prefetch = 0 : i64, scratch_operands = 0 : i64, tpu.core_type = #tpu.core_type<tc>, window_params = [{transform_indices = @transform_0, window_bounds = array<i64: 1, 1, 128, 128>}, {transform_indices = @transform_1, window_bounds = array<i64: 1, 1, 128, 128>}]} {
    %get3A = arith.constant 0 : index
    %get3A_0 = arith.constant 0 : index
    %get3A_1 = arith.constant 0 : index
    %get3A_2 = arith.constant 0 : index
    %get3A_3 = vector.load %arg2[%get3A, %get3A_0, %get3A_1, %get3A_2] : memref<1x1x128x128xf32, #tpu.memory_space<vmem>>, vector<1x1x128x128xf32>
    %get3A_4 = vector.shape_cast %get3A_3 : vector<1x1x128x128xf32> to vector<128x128xf32>
    %broadcast_in_dim3A = arith.constant 0xFF800000 : f32
    %broadcast_in_dim3A_5 = vector.broadcast %broadcast_in_dim3A : f32 to vector<1x128xf32>
    %slice3A = vector.extract_strided_slice %get3A_4 {offsets = [1, 0], sizes = [127, 128], strides = [1, 1]} : vector<128x128xf32> to vector<127x128xf32>
    %concatenate3A = tpu.concatenate %slice3A, %broadcast_in_dim3A_5 in 0 : vector<127x128xf32>, vector<1x128xf32> -> vector<128x128xf32>
    %slice3A_6 = vector.extract_strided_slice %get3A_4 {offsets = [0, 0], sizes = [127, 128], strides = [1, 1]} : vector<128x128xf32> to vector<127x128xf32>
    %concatenate3A_7 = tpu.concatenate %broadcast_in_dim3A_5, %slice3A_6 in 0 : vector<1x128xf32>, vector<127x128xf32> -> vector<128x128xf32>
    %max3A = arith.maximumf %concatenate3A, %concatenate3A_7 : vector<128x128xf32>
    %max3A_8 = arith.maximumf %max3A, %get3A_4 : vector<128x128xf32>
    %broadcast_in_dim3A_9 = arith.constant 0xFF800000 : f32
    %broadcast_in_dim3A_10 = vector.broadcast %broadcast_in_dim3A_9 : f32 to vector<128x1xf32>
    %slice3A_11 = vector.extract_strided_slice %max3A_8 {offsets = [0, 1], sizes = [128, 127], strides = [1, 1]} : vector<128x128xf32> to vector<128x127xf32>
    %concatenate3A_12 = tpu.concatenate %slice3A_11, %broadcast_in_dim3A_10 in 1 : vector<128x127xf32>, vector<128x1xf32> -> vector<128x128xf32>
    %slice3A_13 = vector.extract_strided_slice %max3A_8 {offsets = [0, 0], sizes = [128, 127], strides = [1, 1]} : vector<128x128xf32> to vector<128x127xf32>
    %concatenate3A_14 = tpu.concatenate %broadcast_in_dim3A_10, %slice3A_13 in 1 : vector<128x1xf32>, vector<128x127xf32> -> vector<128x128xf32>
    %max3A_15 = arith.maximumf %concatenate3A_12, %concatenate3A_14 : vector<128x128xf32>
    %max3A_16 = arith.maximumf %max3A_15, %max3A_8 : vector<128x128xf32>
    %eq3A = arith.cmpf oeq, %max3A_16, %get3A_4 : vector<128x128xf32>
    %jit3A = arith.constant 0.000000e+00 : f32
    %broadcast_in_dim3A_17 = vector.broadcast %jit3A : f32 to vector<128x128xf32>
    %select_n3A = arith.select %eq3A, %get3A_4, %broadcast_in_dim3A_17 : vector<128x128xi1>, vector<128x128xf32>
    %swap3A = arith.constant 0 : index
    %swap3A_18 = arith.constant 0 : index
    %swap3A_19 = arith.constant 0 : index
    %swap3A_20 = arith.constant 0 : index
    %swap3A_21 = vector.load %arg3[%swap3A, %swap3A_18, %swap3A_19, %swap3A_20] : memref<1x1x128x128xf32, #tpu.memory_space<vmem>>, vector<1x1x128x128xf32>
    %swap3A_22 = vector.shape_cast %swap3A_21 : vector<1x1x128x128xf32> to vector<128x128xf32>
    %swap3A_23 = vector.shape_cast %select_n3A : vector<128x128xf32> to vector<1x1x128x128xf32>
    tpu.vector_store %arg3[%swap3A, %swap3A_18, %swap3A_19, %swap3A_20], %swap3A_23 {strides = array<i32>} : memref<1x1x128x128xf32, #tpu.memory_space<vmem>>, vector<1x1x128x128xf32>,
    return
  }
  func.func @transform_0(%arg0: i32, %arg1: i32) -> (i32, i32, i32, i32) {
    %c0_i32 = arith.constant 0 : i32
    %c0_i32_0 = arith.constant 0 : i32
    %c0_i32_1 = arith.constant 0 : i32
    return %arg0, %arg1, %c0_i32, %c0_i32_0 : i32, i32, i32, i32
  }
  func.func @transform_1(%arg0: i32, %arg1: i32) -> (i32, i32, i32, i32) {
    %c0_i32 = arith.constant 0 : i32
    %c0_i32_0 = arith.constant 0 : i32
    %c0_i32_1 = arith.constant 0 : i32
    return %arg0, %arg1, %c0_i32, %c0_i32_0 : i32, i32, i32, i32
  }
}

</mosaic_0001>

<sc_bundles>
// kernel: sparse-core-data-format-call.cloned.1.call-start
scs
called_computation_lowered:
.L_overlay_start_0:
0x0: {  	s1 =	sld [smem:$0x3FD9]  }
0x1: {  	s2 =	sld [smem:$0x3FFE];
	_ =	sdelay $0x1  }
0x2: {  	s3 =	srdreg.scid  }
0x3: {  	s0 =	sand.u32 $0x1, s3  }
0x4: {  	s17 =	sshll.u32 s0, $0xA;
	s1 =	sadd.s32 s2, s1  }
0x5: {  	s1 =	sadd.s32 s1, s17  }
0x6: {  	[smem:$0x3FC3] =	sst s1  }
0x7: {  	_ = 	snop  }
0x8: {  	(tm) =	ssettm $0x1  }
0x9: {  	s18 =	sld [smem:$0x3FFB];
	_ =	sdelay $0x3  }
0xa: {  	_ =	strace s18  }
0xb: {  	s1 =	sld [smem:$0x3FFC];
	_ =	sdelay $0x3  }
0xc: {  	_ =	strace s1  }
0xd: {  	s1 =	sld [smem:$0x3FFD];
	_ =	sdelay $0x3  }
0xe: {  	_ =	strace s1  }
0xf: {  	_ =	strace $0x8FFFFFFF  }
0x10: {  	s19 =	sld [smem:$0x3FDB];
	_ =	sdelay $0x1  }
0x11: {  	s20 =	simm.s32 $_scs_section_size  }
0x12: {  	s4 =	simm.s32 $_size__tile_overlayer_lowered;
	s5 =	simm.s32 $_tile_overlayer_lowered  }
0x13: {  	s23 =	simm.s32 $0x1BFF;
	s22 =	sshll.u32 s5, $0x1;
	s1 =	sadd.s32 s20, s19  }
0x14: {  	s6 =	simm.s32 $0x0;
	s21 =	sshll.u32 s4, $0x1;
	s4 =	sadd.s32 s22, s1  }
0x15: {  	[timem:s6], [sflag:s23] =	dma.local [hbm:s4], s21  }
0x16: {  	_ =	swait.ge [sflag:s23], s21  }
0x17: {  	s2 =	ssub.s32 $0x0, s21;
	[sflag:s23] =	ssyncset.done $0x0  }
0x18: {  	[sflag:s23] =	ssyncadd.s32 s2;
	_ =	sdelay $0x1  }
0x19: {  	s24 =	simm.s32 $0x1B8B  }
0x1a: {  	_ =	swait.ge [sflag:s24], $0x1  }
0x1b: {  	[sflag:s24] =	ssyncset.done $0x0  }
0x1c: {  	s26 =	simm.s32 $0x1B8E;
	s25 =	sld [smem:$0x3FFE];
	[sflag:s24] =	ssyncadd.s32 $0xFFFFFFFF  }
0x1d: {  	s27 =	simm.s32 $execute0_lowered;
	[smem:$0x3FD2] =	sst s26  }
0x1e: {  	s4 =	sshll.u32 s27, $0x1;
	_ =	strace $0x80000046;
	[dreg:$0x1] =	wrdreg $0xFFFFFFFF  }
0x1f: {  	s28 =	simm.s32 $_size_execute0_lowered;
	s1 =	sadd.s32 s1, s4;
	[dreg:$0x0] =	wrdreg $0x0  }
0x20: {  	s4 =	sshll.u32 s28, $0x1;
	[dreg:$0x2] =	wrdreg s1  }
0x21: {  	[dreg:$0x3] =	wrdreg s4  }
0x22: {  	[dreg:$0x4] =	wrdreg $0xC0  }
0x23: {  	_ =	task [dreg:s6], $0x5FFFF  }
0x24: {  	[dreg:$0x1] =	wrdreg $0xFFFFFFFF  }
0x25: {  	[dreg:$0x0] =	wrdreg $0x60  }
0x26: {  	[dreg:$0x2] =	wrdreg s25  }
0x27: {  	[dreg:$0x3] =	wrdreg $0x9  }
0x28: {  	_ =	task.clear_ibuf [dreg:s6], $0x4FFFF;
	_ =	strace $0x90000046  }
0x29: {  	s29 =	simm.s32 $0x9;
	_ =	strace $0x80000048  }
0x2a: {  	_ =	swait.ge [sflag:s29], $0x1  }
0x2b: {  	[sflag:s29] =	ssyncadd.s32 $0xFFFFFFFF  }
0x2c: {  	_ =	strace $0x90000048  }
0x2d: {  	_ =	sfence  }
0x2e: {  	s30 =	sld [smem:$0x0];
	_ =	sdelay $0x2  }
0x2f: {  	s31 =	sshll.u32 s3, $0xD;
	s3 =	sshrl.u32 s3, $0x2  }
0x30: {  	s2 =	sand.u32 $0x4000, s31;
	s1 =	sadd.s32 s3, s30  }
0x31: {  	s0 =	sor.u32 s2, s0;
	s1 =	sshll.u32 s1, $0x11  }
0x32: {  	s0 =	sor.u32 s1, s0  }
0x33: {  	s0 =	sadd.s32 $0x8F2B, s0  }
0x34: {  	[sflag:s0] =	ssyncadd.remote.s32 $0x1  }
0x35: {  	_ =	sfence.sel $0xFFFF  }
0x36: {  	[dreg:$0x0] =	wrdreg $0xFFFFFFFF;
	(pc) =	sbr.abs _section_cstart, $3  }
0x37: {  	[dreg:$0x1] =	wrdreg $0xFFFFFFFF  }
0x38: {  	_ =	task.clear_ibuf [dreg:s6], $0x2FFFF;
	_ =	strace $0x9FFFFFFF  }
0x39: {  	(tm) =	ssettm $0x7FFFFFFF  }
tec
execute0_lowered:
.L_overlay_start_1:
0x0: {  	(tag) =	ssettag $0x1  }
0x1: {  	s2 =	rddreg [dreg:$0x0]  }
0x2: {  	s0 =	rddreg [dreg:$0x1]  }
0x3: {  	s1 =	srdreg.scid;
	_ =	strace $0x80000047;
	s5 =	simm.s32 $0x1  }
0x4: {  	s7 =	simm.s32 $0x2;
	s14 =	simm.s32 $0x0;
	p0 =	por $0x0, $0x0  }
0x5: {  	s8 =	simm.s32 $0x4000;
	s15 =	simm.s32 $0x0;
	s10 =	simm.s32 $0x0  }
.Ltmp0:
0x6: {  	s11 =	simm.s32 $0x0;
	s4 =	sshll.u32 s1, $0x4;
	(pc) =	sbr.rel .LBB1_1-.Ltmp0, $4  }
0x7: {  	s9 =	simm.s32 $0x0;
	s1 =	stileid.u32;
	s4 =	sand.u32 $0x10, s4  }
0x8: {  	s3 =	sadd.s32 $0x200000, s2;
	[sflag:s5] =	ssyncpa.u1 $0x0;
	s6 =	sor.u32 s1, s4  }
0x9: {  	[sflag:s7] =	ssyncpa.u1 $0x0;
	s4 =	sand.u32 $0x7, s1;
	s6 =	sshrl.u32 s6, $0x3  }
0xa: {  	s7 =	simm.s32 $0x80;
	s13 =	smov.u32 s4;
	s12 =	smov.u32 s6  }
.LBB1_5:
0xb: {  	p1 =	slt.u32 s9, $0x2  }
0xc: {  	p2 =	sgt.s32 @!p1 s15, $0x7  }
0xd: {  	s16 =	smov.u32 s15;
	s17 =	sshra.s32 @!p1 s15, $0x1F;
	p2 =	por !p2, p1  }
0xe: {  	s18 =	sshra.s32 @!p1 s14, $0x1F;
	s16 =	simm.s32 @p2 $0x7;
	p2 =	sgt.s32 @!p1 s14, $0x7F  }
0xf: {  	s15 =	sand.u32 @!p1 s17, s15;
	s17 =	smov.u32 s14;
	p2 =	por !p2, p1  }
0x10: {  	s14 =	sand.u32 @!p1 s18, s14;
	s15 =	ssub.s32 @!p1 s16, s15;
	s17 =	simm.s32 @p2 $0x7F  }
0x11: {  	s18 =	smov.u32 s13;
	s16 =	sadd.s32 @!p1 $0xFFFFFFF9, s15;
	s14 =	ssub.s32 @!p1 s17, s14  }
0x12: {  	s15 =	ssub.s32 @!p1 $0x8, s15;
	p2 =	sgt.s32 @!p1 s16, $0x0;
	s14 =	sadd.s32 @!p1 $0xFFFFFF81, s14  }
0x13: {  	s15 =	smul.u32 @!p1 $0x50, s15;
	p3 =	sgt.s32 @!p1 s14, $0x0;
	s14 =	sshll.u32 @!p1 s14, $0x7  }
0x14: {  	p2 =	por !p2, p1;
	s14 =	ssub.s32 @!p1 $0x80, s14;
	p3 =	por !p3, p1  }
0x15: {  	s16 =	sadd.s32 $0x4, s12;
	s15 =	simm.s32 @!p2 $0x0;
	s14 =	simm.s32 @!p3 $0x0  }
0x16: {  	p2 =	sgt.s32 s16, $0x7F;
	s14 =	smul.u32 @!p1 s15, s14;
	s15 =	sadd.s32 $0x8, s13  }
0x17: {  	s18 =	smov.u32 @p2 s15  }
0x18: {  	s9 =	sadd.s32 $0x1, s9;
	s16 =	smov.u32 @p2 s6;
	p2 =	sgt.s32 s18, $0x7  }
0x19: {  	s18 =	smov.u32 @p2 s4;
	p2 =	sne.s32 s9, $0x22  }
.Ltmp1:
0x1a: {  	p0 =	por !p0, !p0;
	(pc) =	sbr.rel @!p2 .LBB1_6-.Ltmp1, $4  }
0x1b: {  	s17 =	simm.s32 @!p1 $0x2;
	s15 =	smov.u32 s11;
	s14 =	sand.u32 @!p1 $0x3FFFF800, s14  }
0x1c: {  	s11 =	smov.u32 s13;
	_ =	swait.ge @!p1 [sflag:s17], s14;
	s19 =	ssub.s32 @!p1 $0x0, s14  }
0x1d: {  	s14 =	smov.u32 s10;
	s10 =	smov.u32 s12;
	[sflag:s17] =	ssyncset.done @!p1 $0x0  }
0x1e: {  	s12 =	smov.u32 s16;
	s13 =	smov.u32 s18;
	[sflag:s17] =	ssyncadd.s32 @!p1 s19  }
.LBB1_1:
0x1f: {  	p1 =	sgt.u32 s9, $0x1F  }
0x20: {  	s16 =	sxor.u32 @!p1 $0xFFFFFFFF, s9;
	s17 =	sshll.u32 @!p1 s13, $0x12  }
0x21: {  	s18 =	sshll.u32 @!p1 s12, $0xB;
	s16 =	sshll.u32 @!p1 s16, $0xE;
	s17 =	sadd.s32 @!p1 s2, s17  }
0x22: {  	s16 =	sand.u32 @!p1 $0x4000, s16;
	s17 =	sadd.s32 @!p1 s18, s17;
	s18 =	simm.s32 @!p1 $0x0  }
0x23: {  	[tilespmem:s16], [sflag:$0x1] =	stream.linear.gather @!p1 [hbm4b:s17+s18], $0x4000, $0x38;
	[tilespmem:$0x10100] =	vst v63  }
0x24: {  	p1 =	seq.s32 s9, $0x0  }
0x25: {  	p2 =	seq.s32 @!p1 s9, $0x21  }
0x26: {  	p1 =	por p1, p2  }
.Ltmp2:
0x27: {  	_ = 	snop;
	(pc) =	sbr.rel @p1 .LBB1_5-.Ltmp2, $1  }
0x28: {  	_ =	sdelay $0x3  }
0x29: {  	s16 =	simm.s32 $0x1  }
0x2a: {  	_ =	swait.ge [sflag:s5], $0x4000;
	s16 =	simm.s32 @!p0 $0x0  }
0x2b: {  	[sflag:s5] =	ssyncset.done $0x0;
	s17 =	sshll.u32 s16, $0xE  }
0x2c: {  	[sflag:s5] =	ssyncadd.s32 $0xFFFFC000;
	s17 =	sor.u32 $0x40, s17  }
0x2d: {  	s16 =	smul.u32 $0x10200, s16;
	v0 =	vld [tilespmem:s17+$0x30]  }
0x2e: {  	v1 =	vld [tilespmem:s17+$0xFFFFFFD0]  }
0x2f: {  	s16 =	sshrl.u32 s16, $0x2;
	v5 =	vld [tilespmem:s17+$0xFFFFFFE0]  }
0x30: {  	v6 =	vld [tilespmem:s17+$0xFFFFFFF0];
	s19 =	sor.u32 $0x8000, s16  }
0x31: {  	s31 =	sand.u32 $0x1, s9;
	v4 =	vld [tilespmem:s17+$0x0];
	s18 =	sadd.s32 $0x0, s19  }
0x32: {  	v3 =	vld [tilespmem:s17+$0x10];
	s16 =	smul.u32 $0x10200, s31;
	[tilespmem:s18+$0x3870 ss:$0x81] =	vst.msk $0xffff, v0  }
0x33: {  	v2 =	vld [tilespmem:s17+$0x20];
	[tilespmem:s18+$0x810 ss:$0x81] =	vst.msk $0xffff, v1  }
0x34: {  	s16 =	sshrl.u32 s16, $0x2;
	v1 =	vld [tilespmem:s17+$0xFFFFFFC0];
	[tilespmem:s18+$0x1020 ss:$0x81] =	vst.msk $0xffff, v5;
	s17 =	sadd.s32 $0x80, s17  }
0x35: {  	s20 =	simm.s32 $0x4;
	s21 =	simm.s32 $0x8;
	s16 =	sor.u32 $0x8000, s16;
	[tilespmem:s18+$0x1830 ss:$0x81] =	vst.msk $0xffff, v6;
	v0 =	vld [tilespmem:s17+$0x30]  }
.LBB1_3:
0x36: {  	p1 =	sne.s32 s21, $0x1FC;
	v5 =	vld [tilespmem:s17+$0xFFFFFFD0];
	[tilespmem:s18+$0x2040 ss:$0x81] =	vst.msk $0xffff, v4  }
0x37: {  	v6 =	vld [tilespmem:s17+$0xFFFFFFE0];
	[tilespmem:s18+$0x2850 ss:$0x81] =	vst.msk $0xffff, v3  }
0x38: {  	s22 =	sshra.s32 s20, $0x2;
	s20 =	smov.u32 s21;
	v7 =	vld [tilespmem:s17+$0xFFFFFFF0];
	[tilespmem:s18+$0x3060 ss:$0x81] =	vst.msk $0xffff, v2  }
.Ltmp3:
0x39: {  	v4 =	vld [tilespmem:s17+$0x0];
	[tilespmem:s18+$0x0 ss:$0x81] =	vst.msk $0xffff, v1;
	s18 =	sadd.s32 s22, s19;
	(pc) =	sbr.rel @p1 .LBB1_3-.Ltmp3, $4  }
0x3a: {  	v3 =	vld [tilespmem:s17+$0x10];
	[tilespmem:s18+$0x3870 ss:$0x81] =	vst.msk $0xffff, v0  }
0x3b: {  	[tilespmem:s18+$0x810 ss:$0x81] =	vst.msk $0xffff, v5;
	v2 =	vld [tilespmem:s17+$0x20]  }
0x3c: {  	v1 =	vld [tilespmem:s17+$0xFFFFFFC0];
	[tilespmem:s18+$0x1020 ss:$0x81] =	vst.msk $0xffff, v6;
	s17 =	sadd.s32 $0x80, s17  }
0x3d: {  	s21 =	sadd.s32 $0x4, s21;
	v0 =	vld [tilespmem:s17+$0x30];
	[tilespmem:s18+$0x1830 ss:$0x81] =	vst.msk $0xffff, v7  }
0x3e: {  	s20 =	sshra.s32 s20, $0x2  }
0x3f: {  	v5 =	vld [tilespmem:s17+$0xFFFFFFD0];
	[tilespmem:s18+$0x2040 ss:$0x81] =	vst.msk $0xffff, v4;
	p1 =	sgt.s32 s11, $0x7;
	s21 =	smov.u32 s11;
	s26 =	sshra.s32 s11, $0x1F  }
0x40: {  	v58 =	vld [tilespmem:s17+$0xFFFFFFE0];
	s22 =	smov.u32 s10;
	s23 =	sshra.s32 s10, $0x1F;
	[tilespmem:s18+$0x2850 ss:$0x81] =	vst.msk $0xffff, v3;
	s19 =	sadd.s32 s20, s19  }
0x41: {  	v59 =	vld [tilespmem:s17+$0xFFFFFFF0];
	s21 =	simm.s32 @!p1 $0x7;
	s20 =	sand.u32 s26, s11;
	p1 =	sgt.s32 s10, $0x7F;
	[tilespmem:s18+$0x3060 ss:$0x81] =	vst.msk $0xffff, v2  }
0x42: {  	v60 =	vld [tilespmem:s17+$0x0];
	s28 =	sand.u32 s23, s10;
	s27 =	ssub.s32 s21, s20;
	s22 =	simm.s32 @!p1 $0x7F;
	[tilespmem:s18+$0x0 ss:$0x81] =	vst.msk $0xffff, v1  }
0x43: {  	v61 =	vld [tilespmem:s17+$0x10];
	s20 =	ssub.s32 s22, s28;
	s21 =	ssub.s32 $0x8, s27;
	[tilespmem:s19+$0x3870 ss:$0x81] =	vst.msk $0xffff, v0  }
0x44: {  	v62 =	vld [tilespmem:s17+$0x20];
	s18 =	sadd.s32 $0xFFFFFFF9, s27;
	s21 =	smul.u32 $0x50, s21;
	s20 =	sadd.s32 $0xFFFFFF81, s20;
	[tilespmem:s19+$0x810 ss:$0x81] =	vst.msk $0xffff, v5  }
0x45: {  	v63 =	vld [tilespmem:s17+$0xFFFFFFC0];
	s30 =	smul.u32 $0x28000, s11;
	p1 =	sgt.s32 s18, $0x0;
	[tilespmem:s19+$0x1020 ss:$0x81] =	vst.msk $0xffff, v58;
	s29 =	sshll.u32 s20, $0x7  }
0x46: {  	[tilespmem:s19+$0x1830 ss:$0x81] =	vst.msk $0xffff, v59;
	s21 =	simm.s32 @p1 $0x0;
	p1 =	sgt.s32 s20, $0x0;
	s17 =	ssub.s32 $0x80, s29  }
.Ltmp4:
0x47: {  	[tilespmem:s19+$0x2040 ss:$0x81] =	vst.msk $0xffff, v60;
	s17 =	simm.s32 @p1 $0x0;
	(pc) =	sbr.rel .LBB1_5-.Ltmp4, $4  }
0x48: {  	s31 =	sshll.u32 s10, $0x4;
	[tilespmem:s19+$0x2850 ss:$0x81] =	vst.msk $0xffff, v61;
	s17 =	smul.u32 s21, s17  }
0x49: {  	s18 =	sadd.s32 s3, s30;
	[tilespmem:s19+$0x3060 ss:$0x81] =	vst.msk $0xffff, v62;
	s20 =	sand.u32 $0x7F0, s31  }
0x4a: {  	[tilespmem:s19+$0x0 ss:$0x81] =	vst.msk $0xffff, v63;
	s18 =	sadd.s32 s20, s18;
	s17 =	sand.u32 $0x3FFFF800, s17  }
0x4b: {  	[hbm4b:s18+s7] =	stream.strided.scatter [tilespmem:s16], [sflag:$0x2], s17, s8, s7, $0x20;
	[tilespmem:$0x10100] =	vst v63  }
.LBB1_6:
0x4c: {  	_ =	sfence.sel $0x180000  }
0x4d: {  	s2 =	simm.s32 $0x1;
	[bflag:$0x0] =	sbarrier.arrive $0xFFFF  }
0x4e: {  	s31 =	simm.s32 $0x2;
	[sflag:s2] =	ssyncpa.u1 $0x1  }
0x4f: {  	[sflag:s31] =	ssyncpa.u1 $0x1  }
0x50: {  	p0 =	sne.s32 s1, $0x0;
	_ =	strace $0x90000047  }
0x51: {  	s0 =	sadd.s32 @!p0 $0x100000, s0;
	[bflag:$0x2] =	sbarrier.arrive $0xFFFF  }
0x52: {  	[sflag:s0] =	ssyncadd.tile.s32 @!p0 $0x1;
	_ =	shalt  }
.Lfunc_end1:
_tile_overlayer_lowered:
.L_overlay_start_2:
0x53: {  	(tag) =	ssettag $0x2  }
0x54: {  	s0 =	rddreg [dreg:$0x0];
	s2 =	stileid.u32  }
0x55: {  	s1 =	rddreg [dreg:$0x1];
	p0 =	sne.s32 s2, $0x0  }
0x56: {  	s3 =	rddreg [dreg:$0x2];
	[bflag:$0x3] =	sbarrier.arrive $0xFFFF;
	s2 =	simm.s32 @!p0 $0x1C01  }
0x57: {  	[timem:s3], [sflag:s2] =	dma.local @!p0 [hbm:s0], s1  }
0x58: {  	s0 =	simm.s32 @!p0 $0x1  }
0x59: {  	_ =	swait.ge @!p0 [sflag:s0], s1  }
0x5a: {  	s1 =	ssub.s32 @!p0 $0x0, s1;
	[sflag:s0] =	ssyncset.done @!p0 $0x0  }
0x5b: {  	[sflag:s0] =	ssyncadd.s32 @!p0 s1  }
0x5c: {  	[bflag:$0x3] =	sbarrier.arrive $0xFFFF  }
0x5d: {  	_ =	shalt  }

</sc_bundles>
